<compile_context>
chip_gen: v7x
topology: tpu7x:2x2x1
jax: 0.10.2.dev20260603
libtpu: 0.0.44.dev20260713+nightly
codegen_flags: <defaults>
</compile_context>

<pallas_src>
import functools

import jax
import jax.numpy as jnp
from jax import lax
from jax.experimental import pallas as pl
from jax.experimental.pallas import tpu as pltpu
from jax.experimental.pallas import tpu_sc as plsc

_S = 30.0
_B = 16384
_C = 100
_L = 16
_NS = 16
_RW = _B // _NS
_G = _RW // _L
_BM = 2048
_NBT = _B // _BM


def _sc_body(xt_hbm, m_hbm, t_hbm, xt_out, bm_out, x_v, t_v, m_v, xo_v, bo_v):
    wid = lax.axis_index("s")
    base = wid * _RW
    pltpu.sync_copy(xt_hbm.at[:, pl.ds(base, _RW)], x_v)
    pltpu.sync_copy(t_hbm.at[pl.ds(base, _RW)], t_v)
    pltpu.sync_copy(m_hbm, m_v)
    lanes = lax.iota(jnp.int32, _L)

    def group(g, carry):
        r0 = g * _L
        rows = lanes + r0
        t = t_v[pl.ds(r0, _L)]
        bo_v[pl.ds(r0, _L)] = plsc.load_gather(m_v, [t])
        xo_v[pl.ds(r0, _L)] = plsc.load_gather(x_v, [t, rows])
        return carry

    lax.fori_loop(0, _G, group, 0)
    blk = wid // (_BM // _RW)
    off = (wid % (_BM // _RW)) * _RW
    pltpu.sync_copy(xo_v, xt_out.at[blk, 0, pl.ds(off, _RW)])
    pltpu.sync_copy(bo_v, bm_out.at[blk, 0, pl.ds(off, _RW)])


_sc_gather = functools.partial(
    pl.kernel,
    out_type=[
        jax.ShapeDtypeStruct((_NBT, 1, _BM), jnp.float32),
        jax.ShapeDtypeStruct((_NBT, 1, _BM), jnp.float32),
    ],
    mesh=plsc.VectorSubcoreMesh(
        core_axis_name="c", subcore_axis_name="s", num_cores=1, num_subcores=_NS
    ),
    scratch_types=[
        pltpu.VMEM((_C, _RW), jnp.float32),
        pltpu.VMEM((_RW,), jnp.int32),
        pltpu.VMEM((_C,), jnp.float32),
        pltpu.VMEM((_RW,), jnp.float32),
        pltpu.VMEM((_RW,), jnp.float32),
    ],
    compiler_params=pltpu.CompilerParams(needs_layout_passes=False),
)(_sc_body)


def _tc_block(xt_ref, s_ref, mx_ref):
    x = xt_ref[...]
    mx = jnp.max(x, axis=0, keepdims=True)
    s = jnp.sum(jnp.exp((x - mx) * _S), axis=0, keepdims=True)
    s_ref[0] = s
    mx_ref[0] = mx


def _combine_body(s_ref, mx_ref, xt_ref, bm_ref, out_ref):
    s = s_ref[...]
    mx = mx_ref[...]
    xt = xt_ref[...]
    bm = bm_ref[...]
    e_raw = jnp.exp((xt - mx) * _S)
    e_mod = jnp.exp((xt - bm - mx) * _S)
    s2 = jnp.maximum(s - e_raw + e_mod, 1e-30)
    loss = jnp.log(s2) + _S * ((mx - xt) + bm)
    out_ref[0, 0] = jnp.sum(loss) * (1.0 / _B)


def kernel(inputs, m_list, targets):
    xt = inputs.T
    xt_a, bm_a = _sc_gather(xt, m_list, targets)
    s_a, mx_a = pl.pallas_call(
        _tc_block,
        grid=(_NBT,),
        in_specs=[pl.BlockSpec((_C, _BM), lambda i: (0, i))],
        out_specs=[
            pl.BlockSpec((1, 1, _BM), lambda i: (i, 0, 0)),
            pl.BlockSpec((1, 1, _BM), lambda i: (i, 0, 0)),
        ],
        out_shape=[
            jax.ShapeDtypeStruct((_NBT, 1, _BM), jnp.float32),
            jax.ShapeDtypeStruct((_NBT, 1, _BM), jnp.float32),
        ],
    )(xt)
    out = pl.pallas_call(
        _combine_body,
        in_specs=[
            pl.BlockSpec(memory_space=pltpu.VMEM),
            pl.BlockSpec(memory_space=pltpu.VMEM),
            pl.BlockSpec(memory_space=pltpu.VMEM),
            pl.BlockSpec(memory_space=pltpu.VMEM),
        ],
        out_specs=pl.BlockSpec(memory_space=pltpu.SMEM),
        out_shape=jax.ShapeDtypeStruct((1, 1), jnp.float32),
    )(s_a, mx_a, xt_a, bm_a)
    return out[0, 0]

# --- scband reference (transcript-rebuilt; emitter-appended) ---
"""Pipeline reference for scband-ldamloss-15685220565551 (READ-ONLY COPY).

The authoritative reference and input builder live on the scoring server;
editing this copy changes nothing except your own understanding.
"""

import jax, jax.numpy as jnp
import numpy as np

CLS_NUM_LIST = [5000, 4951, 4902, 4853, 4804, 4755, 4706, 4657, 4608, 4559, 4510, 4461, 4412, 4363, 4314, 4265, 4216, 4167, 4118, 4069, 4020, 3971, 3922, 3873, 3824, 3775, 3726, 3677, 3628, 3579, 3530, 3481, 3432, 3383, 3334, 3285, 3236, 3187, 3138, 3089, 3040, 2991, 2942, 2893, 2844, 2795, 2746, 2697, 2648, 2599, 2550, 2501, 2452, 2403, 2354, 2305, 2256, 2207, 2158, 2109, 2060, 2011, 1962, 1913, 1864, 1815, 1766, 1717, 1668, 1619, 1570, 1521, 1472, 1423, 1374, 1325, 1276, 1227, 1178, 1129, 1080, 1031, 982, 933, 884, 835, 786, 737, 688, 639, 590, 541, 492, 443, 394, 345, 296, 247, 198, 149]
MAX_M = 0.5
S = 30.0
BATCH = 16384
NUM_CLASSES = 100


def setup_inputs(seed: int = 0) -> dict:
    key = jax.random.key(seed)
    k1, k2 = jax.random.split(key)
    inputs = jax.random.normal(k1, (BATCH, NUM_CLASSES), dtype=jnp.float32)
    targets = jax.random.randint(k2, (BATCH,), 0, NUM_CLASSES, dtype=jnp.int32)
    counts = jnp.array(CLS_NUM_LIST, dtype=jnp.float32)
    m_list = 1.0 / jnp.sqrt(jnp.sqrt(counts))
    m_list = m_list * (MAX_M / jnp.max(m_list))
    return {"inputs": inputs, "m_list": m_list, "targets": targets}


def reference(inputs, m_list, targets):
    n = inputs.shape[0]
    rows = jnp.arange(n)
    # batch_m = m_list[targets]  (gather from margin buffer)
    batch_m = jnp.take(m_list, targets, axis=0)
    # gather the target logit, subtract margin, scatter-overwrite back
    gathered = inputs[rows, targets]
    inputs_m = inputs.at[rows, targets].set(gathered - batch_m)
    logits = inputs_m * S
    # cross entropy with reduction='none', then mean
    log_z = jax.nn.logsumexp(logits, axis=1)
    tgt_logit = logits[rows, targets]
    loss = log_z - tgt_logit
    return loss.mean()

if __name__ == "__main__":
    import jax
    _d = setup_inputs()
    print(jax.jit(kernel)(*tuple(_d.values())))

</pallas_src>

<mosaic_0001>
#map = affine_map<(d0, d1) -> (0, 0)>
#map1 = affine_map<(d0, d1) -> (0)>
#map2 = affine_map<(d0, d1) -> (0, 0, 0)>
module attributes {stable_mosaic.version = 14 : i64} {
  func.func @_sc_body(%arg0: i32, %arg1: i32, %arg2: memref<100x16384xf32, #tpu.memory_space<hbm>>, %arg3: memref<100xf32, #tpu.memory_space<hbm>>, %arg4: memref<16384xi32, #tpu.memory_space<hbm>>, %arg5: memref<8x1x2048xf32, #tpu.memory_space<hbm>>, %arg6: memref<8x1x2048xf32, #tpu.memory_space<hbm>>, %arg7: memref<100x1024xf32, #tpu.memory_space<vmem>>, %arg8: memref<1024xi32, #tpu.memory_space<vmem>>, %arg9: memref<100xf32, #tpu.memory_space<vmem>>, %arg10: memref<1024xf32, #tpu.memory_space<vmem>>, %arg11: memref<1024xf32, #tpu.memory_space<vmem>>) attributes {dimension_semantics = [#tpu.dimension_semantics<core_parallel>, #tpu.dimension_semantics<subcore_parallel>], iteration_bounds = array<i64: 1, 16>, scalar_prefetch = 0 : i64, scratch_operands = 5 : i64, tpu.core_type = #tpu.core_type<sc_vector_subcore>, window_params = [{transform_indices = #map}, {transform_indices = #map1}, {transform_indices = #map1}, {transform_indices = #map2}, {transform_indices = #map2}]} {
    %mul3A = arith.constant 1024 : i32
    %mul3A_0 = arith.muli %arg1, %mul3A : i32
    "tpu.region"() ({
      %run_scoped3A_38 = tpu.sem_alloc : memref<!tpu.dma_semaphore, #tpu.memory_space<semaphore_mem>>
      %dma_start3A = arith.constant 0 : i32
      %dma_start3A_39 = tpu.memref_slice %arg2[%dma_start3A, %mul3A_0] : memref<100x16384xf32, #tpu.memory_space<hbm>> -> memref<100x1024xf32, #tpu.memory_space<hbm>>
      %dma_start3A_40 = arith.constant 0 : i32
      %dma_start3A_41 = tpu.memref_slice %arg2[%dma_start3A_40, %mul3A_0] : memref<100x16384xf32, #tpu.memory_space<hbm>> -> memref<100x1024xf32, #tpu.memory_space<hbm>>
      tpu.enqueue_dma source(%dma_start3A_41 : memref<100x1024xf32, #tpu.memory_space<hbm>>) target(%arg7 : memref<100x1024xf32, #tpu.memory_space<vmem>>) target_semaphore(%run_scoped3A_38 : memref<!tpu.dma_semaphore, #tpu.memory_space<semaphore_mem>>)
      %dma_wait3A = arith.constant 0 : i32
      %dma_wait3A_42 = tpu.memref_slice %arg2[%dma_wait3A, %mul3A_0] : memref<100x16384xf32, #tpu.memory_space<hbm>> -> memref<100x1024xf32, #tpu.memory_space<hbm>>
      %dma_wait3A_43 = arith.constant 0 : i32
      %dma_wait3A_44 = tpu.memref_slice %arg2[%dma_wait3A_43, %mul3A_0] : memref<100x16384xf32, #tpu.memory_space<hbm>> -> memref<100x1024xf32, #tpu.memory_space<hbm>>
      tpu.wait_dma2 semaphore(%run_scoped3A_38 : memref<!tpu.dma_semaphore, #tpu.memory_space<semaphore_mem>>) src(%dma_wait3A_44 : memref<100x1024xf32, #tpu.memory_space<hbm>>) dst(%arg7 : memref<100x1024xf32, #tpu.memory_space<vmem>>)
      tpu.yield
    }) : () -> ()
    "tpu.region"() ({
      %run_scoped3A_38 = tpu.sem_alloc : memref<!tpu.dma_semaphore, #tpu.memory_space<semaphore_mem>>
      %dma_start3A = tpu.memref_slice %arg4[%mul3A_0] : memref<16384xi32, #tpu.memory_space<hbm>> -> memref<1024xi32, #tpu.memory_space<hbm>>
      %dma_start3A_39 = tpu.memref_slice %arg4[%mul3A_0] : memref<16384xi32, #tpu.memory_space<hbm>> -> memref<1024xi32, #tpu.memory_space<hbm>>
      tpu.enqueue_dma source(%dma_start3A_39 : memref<1024xi32, #tpu.memory_space<hbm>>) target(%arg8 : memref<1024xi32, #tpu.memory_space<vmem>>) target_semaphore(%run_scoped3A_38 : memref<!tpu.dma_semaphore, #tpu.memory_space<semaphore_mem>>)
      %dma_wait3A = tpu.memref_slice %arg4[%mul3A_0] : memref<16384xi32, #tpu.memory_space<hbm>> -> memref<1024xi32, #tpu.memory_space<hbm>>
      %dma_wait3A_40 = tpu.memref_slice %arg4[%mul3A_0] : memref<16384xi32, #tpu.memory_space<hbm>> -> memref<1024xi32, #tpu.memory_space<hbm>>
      tpu.wait_dma2 semaphore(%run_scoped3A_38 : memref<!tpu.dma_semaphore, #tpu.memory_space<semaphore_mem>>) src(%dma_wait3A_40 : memref<1024xi32, #tpu.memory_space<hbm>>) dst(%arg8 : memref<1024xi32, #tpu.memory_space<vmem>>)
      tpu.yield
    }) : () -> ()
    "tpu.region"() ({
      %run_scoped3A_38 = tpu.sem_alloc : memref<!tpu.dma_semaphore, #tpu.memory_space<semaphore_mem>>
      tpu.enqueue_dma source(%arg3 : memref<100xf32, #tpu.memory_space<hbm>>) target(%arg9 : memref<100xf32, #tpu.memory_space<vmem>>) target_semaphore(%run_scoped3A_38 : memref<!tpu.dma_semaphore, #tpu.memory_space<semaphore_mem>>)
      tpu.wait_dma2 semaphore(%run_scoped3A_38 : memref<!tpu.dma_semaphore, #tpu.memory_space<semaphore_mem>>) src(%arg3 : memref<100xf32, #tpu.memory_space<hbm>>) dst(%arg9 : memref<100xf32, #tpu.memory_space<vmem>>)
      tpu.yield
    }) : () -> ()
    %iota3A = tpu.iota {dimensions = array<i32: 0>} : vector<16xi32>
    %scan3A = arith.constant 0 : i32
    %scan3A_1 = arith.constant 0 : i32
    %scan3A_2 = arith.constant 64 : i32
    %scan3A_3 = arith.addi %scan3A_1, %scan3A_2 : i32
    %scan3A_4 = arith.constant 1 : i32
    scf.for %scan3A_38 = %scan3A_1 to %scan3A_3 step %scan3A_4  : i32 {
      %mul3A_39 = arith.constant 16 : i32
      %mul3A_40 = arith.muli %scan3A_38, %mul3A_39 : i32
      %add3A_41 = vector.broadcast %mul3A_40 : i32 to vector<16xi32>
      %add3A_42 = arith.addi %iota3A, %add3A_41 : vector<16xi32>
      %get3A = arith.index_cast %mul3A_40 : i32 to index
      %get3A_43 = tpu.vector_load %arg8[%get3A] {strides = array<i32>} : memref<1024xi32, #tpu.memory_space<vmem>>, vector<16xi32>,
      %gather3A = tpu.vector_load_idx %arg9[%get3A_43] : memref<100xf32, #tpu.memory_space<vmem>>[vector<16xi32>], vector<16xf32>,
      %swap3A = arith.index_cast %mul3A_40 : i32 to index
      %swap3A_44 = tpu.vector_load %arg11[%swap3A] {strides = array<i32>} : memref<1024xf32, #tpu.memory_space<vmem>>, vector<16xf32>,
      tpu.vector_store %arg11[%swap3A], %gather3A {strides = array<i32>} : memref<1024xf32, #tpu.memory_space<vmem>>, vector<16xf32>,
      %gather3A_45 = tpu.vector_load_idx %arg7[%get3A_43, %add3A_42] : memref<100x1024xf32, #tpu.memory_space<vmem>>[vector<16xi32>, vector<16xi32>], vector<16xf32>,
      %swap3A_46 = arith.index_cast %mul3A_40 : i32 to index
      %swap3A_47 = tpu.vector_load %arg10[%swap3A_46] {strides = array<i32>} : memref<1024xf32, #tpu.memory_space<vmem>>, vector<16xf32>,
      tpu.vector_store %arg10[%swap3A_46], %gather3A_45 {strides = array<i32>} : memref<1024xf32, #tpu.memory_space<vmem>>, vector<16xf32>,
    }
    %scan3A_5 = arith.constant 64 : i32
    %jit3A = arith.constant 2 : i32
    %div3A = arith.divsi %arg1, %jit3A : i32
    %sign3A = arith.constant 0 : i32
    %sign3A_6 = arith.cmpi sgt, %arg1, %sign3A : i32
    %sign3A_7 = arith.extui %sign3A_6 : i1 to i32
    %sign3A_8 = arith.constant 0 : i32
    %sign3A_9 = arith.cmpi slt, %arg1, %sign3A_8 : i32
    %sign3A_10 = arith.extui %sign3A_9 : i1 to i32
    %sign3A_11 = arith.subi %sign3A_7, %sign3A_10 : i32
    %sign3A_12 = arith.constant 0 : i32
    %sign3A_13 = arith.cmpi sgt, %jit3A, %sign3A_12 : i32
    %sign3A_14 = arith.extui %sign3A_13 : i1 to i32
    %sign3A_15 = arith.constant 0 : i32
    %sign3A_16 = arith.cmpi slt, %jit3A, %sign3A_15 : i32
    %sign3A_17 = arith.extui %sign3A_16 : i1 to i32
    %sign3A_18 = arith.subi %sign3A_14, %sign3A_17 : i32
    %ne3A = arith.cmpi ne, %sign3A_11, %sign3A_18 : i32
    %rem3A = arith.remsi %arg1, %jit3A : i32
    %ne3A_19 = arith.constant 0 : i32
    %ne3A_20 = arith.cmpi ne, %rem3A, %ne3A_19 : i32
    %and3A = arith.andi %ne3A, %ne3A_20 : i1
    %sub3A = arith.constant 1 : i32
    %sub3A_21 = arith.subi %div3A, %sub3A : i32
    %select_n3A = arith.select %and3A, %sub3A_21, %div3A : i32
    %jit3A_22 = arith.constant 2 : i32
    %eq3A = arith.constant 0 : i32
    %eq3A_23 = arith.cmpi eq, %jit3A_22, %eq3A : i32
    %jit3A_24 = arith.constant 1 : i32
    %select_n3A_25 = arith.select %eq3A_23, %jit3A_24, %jit3A_22 : i32
    %rem3A_26 = arith.remsi %arg1, %select_n3A_25 : i32
    %ne3A_27 = arith.constant 0 : i32
    %ne3A_28 = arith.cmpi ne, %rem3A_26, %ne3A_27 : i32
    %lt3A = arith.constant 0 : i32
    %lt3A_29 = arith.cmpi slt, %rem3A_26, %lt3A : i32
    %lt3A_30 = arith.constant 0 : i32
    %lt3A_31 = arith.cmpi slt, %select_n3A_25, %lt3A_30 : i32
    %ne3A_32 = arith.xori %lt3A_29, %lt3A_31 : i1
    %and3A_33 = arith.andi %ne3A_32, %ne3A_28 : i1
    %add3A = arith.addi %rem3A_26, %select_n3A_25 : i32
    %select_n3A_34 = arith.select %and3A_33, %add3A, %rem3A_26 : i32
    %mul3A_35 = arith.constant 1024 : i32
    %mul3A_36 = arith.muli %select_n3A_34, %mul3A_35 : i32
    %run_scoped3A = arith.constant 0 : i32
    "tpu.region"() ({
      %run_scoped3A_38 = tpu.sem_alloc : memref<!tpu.dma_semaphore, #tpu.memory_space<semaphore_mem>>
      %dma_start3A = tpu.memref_slice %arg5[%select_n3A, %run_scoped3A, %mul3A_36] : memref<8x1x2048xf32, #tpu.memory_space<hbm>> -> memref<1x1x1024xf32, #tpu.memory_space<hbm>>
      %dma_start3A_39 = tpu.memref_squeeze %dma_start3A : memref<1x1x1024xf32, #tpu.memory_space<hbm>> -> memref<1024xf32, #tpu.memory_space<hbm>>
      %dma_start3A_40 = tpu.memref_slice %arg5[%select_n3A, %run_scoped3A, %mul3A_36] : memref<8x1x2048xf32, #tpu.memory_space<hbm>> -> memref<1x1x1024xf32, #tpu.memory_space<hbm>>
      %dma_start3A_41 = tpu.memref_squeeze %dma_start3A_40 : memref<1x1x1024xf32, #tpu.memory_space<hbm>> -> memref<1024xf32, #tpu.memory_space<hbm>>
      tpu.enqueue_dma source(%arg10 : memref<1024xf32, #tpu.memory_space<vmem>>) target(%dma_start3A_41 : memref<1024xf32, #tpu.memory_space<hbm>>) target_semaphore(%run_scoped3A_38 : memref<!tpu.dma_semaphore, #tpu.memory_space<semaphore_mem>>)
      %dma_wait3A = tpu.memref_slice %arg5[%select_n3A, %run_scoped3A, %mul3A_36] : memref<8x1x2048xf32, #tpu.memory_space<hbm>> -> memref<1x1x1024xf32, #tpu.memory_space<hbm>>
      %dma_wait3A_42 = tpu.memref_squeeze %dma_wait3A : memref<1x1x1024xf32, #tpu.memory_space<hbm>> -> memref<1024xf32, #tpu.memory_space<hbm>>
      %dma_wait3A_43 = tpu.memref_slice %arg5[%select_n3A, %run_scoped3A, %mul3A_36] : memref<8x1x2048xf32, #tpu.memory_space<hbm>> -> memref<1x1x1024xf32, #tpu.memory_space<hbm>>
      %dma_wait3A_44 = tpu.memref_squeeze %dma_wait3A_43 : memref<1x1x1024xf32, #tpu.memory_space<hbm>> -> memref<1024xf32, #tpu.memory_space<hbm>>
      tpu.wait_dma2 semaphore(%run_scoped3A_38 : memref<!tpu.dma_semaphore, #tpu.memory_space<semaphore_mem>>) src(%arg10 : memref<1024xf32, #tpu.memory_space<vmem>>) dst(%dma_wait3A_44 : memref<1024xf32, #tpu.memory_space<hbm>>)
      tpu.yield
    }) : () -> ()
    %run_scoped3A_37 = arith.constant 0 : i32
    "tpu.region"() ({
      %run_scoped3A_38 = tpu.sem_alloc : memref<!tpu.dma_semaphore, #tpu.memory_space<semaphore_mem>>
      %dma_start3A = tpu.memref_slice %arg6[%select_n3A, %run_scoped3A_37, %mul3A_36] : memref<8x1x2048xf32, #tpu.memory_space<hbm>> -> memref<1x1x1024xf32, #tpu.memory_space<hbm>>
      %dma_start3A_39 = tpu.memref_squeeze %dma_start3A : memref<1x1x1024xf32, #tpu.memory_space<hbm>> -> memref<1024xf32, #tpu.memory_space<hbm>>
      %dma_start3A_40 = tpu.memref_slice %arg6[%select_n3A, %run_scoped3A_37, %mul3A_36] : memref<8x1x2048xf32, #tpu.memory_space<hbm>> -> memref<1x1x1024xf32, #tpu.memory_space<hbm>>
      %dma_start3A_41 = tpu.memref_squeeze %dma_start3A_40 : memref<1x1x1024xf32, #tpu.memory_space<hbm>> -> memref<1024xf32, #tpu.memory_space<hbm>>
      tpu.enqueue_dma source(%arg11 : memref<1024xf32, #tpu.memory_space<vmem>>) target(%dma_start3A_41 : memref<1024xf32, #tpu.memory_space<hbm>>) target_semaphore(%run_scoped3A_38 : memref<!tpu.dma_semaphore, #tpu.memory_space<semaphore_mem>>)
      %dma_wait3A = tpu.memref_slice %arg6[%select_n3A, %run_scoped3A_37, %mul3A_36] : memref<8x1x2048xf32, #tpu.memory_space<hbm>> -> memref<1x1x1024xf32, #tpu.memory_space<hbm>>
      %dma_wait3A_42 = tpu.memref_squeeze %dma_wait3A : memref<1x1x1024xf32, #tpu.memory_space<hbm>> -> memref<1024xf32, #tpu.memory_space<hbm>>
      %dma_wait3A_43 = tpu.memref_slice %arg6[%select_n3A, %run_scoped3A_37, %mul3A_36] : memref<8x1x2048xf32, #tpu.memory_space<hbm>> -> memref<1x1x1024xf32, #tpu.memory_space<hbm>>
      %dma_wait3A_44 = tpu.memref_squeeze %dma_wait3A_43 : memref<1x1x1024xf32, #tpu.memory_space<hbm>> -> memref<1024xf32, #tpu.memory_space<hbm>>
      tpu.wait_dma2 semaphore(%run_scoped3A_38 : memref<!tpu.dma_semaphore, #tpu.memory_space<semaphore_mem>>) src(%arg11 : memref<1024xf32, #tpu.memory_space<vmem>>) dst(%dma_wait3A_44 : memref<1024xf32, #tpu.memory_space<hbm>>)
      tpu.yield
    }) : () -> ()
    return
  }
}

module attributes {stable_mosaic.version = 14 : i64} {
  func.func @_combine_body(%arg0: memref<8x1x2048xf32, #tpu.memory_space<vmem>>, %arg1: memref<8x1x2048xf32, #tpu.memory_space<vmem>>, %arg2: memref<8x1x2048xf32, #tpu.memory_space<vmem>>, %arg3: memref<8x1x2048xf32, #tpu.memory_space<vmem>>, %arg4: memref<1x1xf32, #tpu.memory_space<smem>>) attributes {dimension_semantics = [], scalar_prefetch = 0 : i64, scratch_operands = 0 : i64, tpu.core_type = #tpu.core_type<tc>} {
    %get3A = arith.constant 0 : index
    %get3A_0 = arith.constant 0 : index
    %get3A_1 = arith.constant 0 : index
    %get3A_2 = vector.load %arg0[%get3A, %get3A_0, %get3A_1] : memref<8x1x2048xf32, #tpu.memory_space<vmem>>, vector<8x1x2048xf32>
    %get3A_3 = arith.constant 0 : index
    %get3A_4 = arith.constant 0 : index
    %get3A_5 = arith.constant 0 : index
    %get3A_6 = vector.load %arg1[%get3A_3, %get3A_4, %get3A_5] : memref<8x1x2048xf32, #tpu.memory_space<vmem>>, vector<8x1x2048xf32>
    %get3A_7 = arith.constant 0 : index
    %get3A_8 = arith.constant 0 : index
    %get3A_9 = arith.constant 0 : index
    %get3A_10 = vector.load %arg2[%get3A_7, %get3A_8, %get3A_9] : memref<8x1x2048xf32, #tpu.memory_space<vmem>>, vector<8x1x2048xf32>
    %get3A_11 = arith.constant 0 : index
    %get3A_12 = arith.constant 0 : index
    %get3A_13 = arith.constant 0 : index
    %get3A_14 = vector.load %arg3[%get3A_11, %get3A_12, %get3A_13] : memref<8x1x2048xf32, #tpu.memory_space<vmem>>, vector<8x1x2048xf32>
    %sub3A = arith.subf %get3A_10, %get3A_6 : vector<8x1x2048xf32>
    %mul3A = arith.constant 3.000000e+01 : f32
    %mul3A_15 = vector.broadcast %mul3A : f32 to vector<8x1x2048xf32>
    %mul3A_16 = arith.mulf %sub3A, %mul3A_15 : vector<8x1x2048xf32>
    %exp3A = math.exp %mul3A_16 : vector<8x1x2048xf32>
    %sub3A_17 = arith.subf %get3A_10, %get3A_14 : vector<8x1x2048xf32>
    %sub3A_18 = arith.subf %sub3A_17, %get3A_6 : vector<8x1x2048xf32>
    %mul3A_19 = arith.constant 3.000000e+01 : f32
    %mul3A_20 = vector.broadcast %mul3A_19 : f32 to vector<8x1x2048xf32>
    %mul3A_21 = arith.mulf %sub3A_18, %mul3A_20 : vector<8x1x2048xf32>
    %exp3A_22 = math.exp %mul3A_21 : vector<8x1x2048xf32>
    %sub3A_23 = arith.subf %get3A_2, %exp3A : vector<8x1x2048xf32>
    %add3A = arith.addf %sub3A_23, %exp3A_22 : vector<8x1x2048xf32>
    %max3A = arith.constant 1.000000e-30 : f32
    %max3A_24 = vector.broadcast %max3A : f32 to vector<8x1x2048xf32>
    %max3A_25 = arith.maximumf %add3A, %max3A_24 : vector<8x1x2048xf32>
    %log3A = math.log %max3A_25 : vector<8x1x2048xf32>
    %sub3A_26 = arith.subf %get3A_6, %get3A_10 : vector<8x1x2048xf32>
    %add3A_27 = arith.addf %sub3A_26, %get3A_14 : vector<8x1x2048xf32>
    %mul3A_28 = arith.constant 3.000000e+01 : f32
    %mul3A_29 = vector.broadcast %mul3A_28 : f32 to vector<8x1x2048xf32>
    %mul3A_30 = arith.mulf %mul3A_29, %add3A_27 : vector<8x1x2048xf32>
    %add3A_31 = arith.addf %log3A, %mul3A_30 : vector<8x1x2048xf32>
    %reduce_sum3A = vector.shape_cast %add3A_31 : vector<8x1x2048xf32> to vector<1x8x1x2048xf32>
    %reduce_sum3A_32 = arith.constant dense<0.000000e+00> : vector<1xf32>
    %reduce_sum3A_33 = vector.multi_reduction <add>, %reduce_sum3A, %reduce_sum3A_32 [1, 2, 3] : vector<1x8x1x2048xf32> to vector<1xf32>
    %reduce_sum3A_34 = vector.shape_cast %reduce_sum3A_33 : vector<1xf32> to vector<1x1x1x1xf32>
    %reduce_sum3A_35 = vector.extract %reduce_sum3A_34[0, 0, 0, 0] : f32 from vector<1x1x1x1xf32>
    %mul3A_36 = arith.constant 6.10351563E-5 : f32
    %mul3A_37 = arith.mulf %reduce_sum3A_35, %mul3A_36 : f32
    %swap3A = arith.constant 0 : index
    %swap3A_38 = arith.constant 0 : index
    %swap3A_39 = memref.load %arg4[%swap3A, %swap3A_38] : memref<1x1xf32, #tpu.memory_space<smem>>
    memref.store %mul3A_37, %arg4[%swap3A, %swap3A_38] : memref<1x1xf32, #tpu.memory_space<smem>>
    return
  }
}

module attributes {stable_mosaic.version = 14 : i64} {
  func.func @_tc_block(%arg0: i32, %arg1: memref<100x2048xf32, #tpu.memory_space<vmem>>, %arg2: memref<1x1x2048xf32, #tpu.memory_space<vmem>>, %arg3: memref<1x1x2048xf32, #tpu.memory_space<vmem>>) attributes {dimension_semantics = [#tpu.dimension_semantics<arbitrary>], iteration_bounds = array<i64: 8>, scalar_prefetch = 0 : i64, scratch_operands = 0 : i64, tpu.core_type = #tpu.core_type<tc>, window_params = [{transform_indices = @transform_0, window_bounds = array<i64: 100, 2048>}, {transform_indices = @transform_1, window_bounds = array<i64: 1, 1, 2048>}, {transform_indices = @transform_2, window_bounds = array<i64: 1, 1, 2048>}]} {
    %get3A = arith.constant 0 : index
    %get3A_0 = arith.constant 0 : index
    %get3A_1 = vector.load %arg1[%get3A, %get3A_0] : memref<100x2048xf32, #tpu.memory_space<vmem>>, vector<100x2048xf32>
    %reduce_max3A = arith.constant dense<0xFF800000> : vector<2048xf32>
    %reduce_max3A_2 = vector.multi_reduction <maximumf>, %get3A_1, %reduce_max3A [0] : vector<100x2048xf32> to vector<2048xf32>
    %broadcast_in_dim3A = vector.shape_cast %reduce_max3A_2 : vector<2048xf32> to vector<1x2048xf32>
    %sub3A = vector.broadcast %broadcast_in_dim3A : vector<1x2048xf32> to vector<100x2048xf32>
    %sub3A_3 = arith.subf %get3A_1, %sub3A : vector<100x2048xf32>
    %mul3A = arith.constant 3.000000e+01 : f32
    %mul3A_4 = vector.broadcast %mul3A : f32 to vector<100x2048xf32>
    %mul3A_5 = arith.mulf %sub3A_3, %mul3A_4 : vector<100x2048xf32>
    %exp3A = math.exp %mul3A_5 : vector<100x2048xf32>
    %reduce_sum3A = arith.constant dense<0.000000e+00> : vector<2048xf32>
    %reduce_sum3A_6 = vector.multi_reduction <add>, %exp3A, %reduce_sum3A [0] : vector<100x2048xf32> to vector<2048xf32>
    %broadcast_in_dim3A_7 = vector.shape_cast %reduce_sum3A_6 : vector<2048xf32> to vector<1x2048xf32>
    %swap3A = arith.constant 0 : index
    %swap3A_8 = arith.constant 0 : index
    %swap3A_9 = arith.constant 0 : index
    %swap3A_10 = vector.load %arg2[%swap3A, %swap3A_8, %swap3A_9] : memref<1x1x2048xf32, #tpu.memory_space<vmem>>, vector<1x1x2048xf32>
    %swap3A_11 = vector.shape_cast %swap3A_10 : vector<1x1x2048xf32> to vector<1x2048xf32>
    %swap3A_12 = vector.shape_cast %broadcast_in_dim3A_7 : vector<1x2048xf32> to vector<1x1x2048xf32>
    tpu.vector_store %arg2[%swap3A, %swap3A_8, %swap3A_9], %swap3A_12 {strides = array<i32>} : memref<1x1x2048xf32, #tpu.memory_space<vmem>>, vector<1x1x2048xf32>,
    %swap3A_13 = arith.constant 0 : index
    %swap3A_14 = arith.constant 0 : index
    %swap3A_15 = arith.constant 0 : index
    %swap3A_16 = vector.load %arg3[%swap3A_13, %swap3A_14, %swap3A_15] : memref<1x1x2048xf32, #tpu.memory_space<vmem>>, vector<1x1x2048xf32>
    %swap3A_17 = vector.shape_cast %swap3A_16 : vector<1x1x2048xf32> to vector<1x2048xf32>
    %swap3A_18 = vector.shape_cast %broadcast_in_dim3A : vector<1x2048xf32> to vector<1x1x2048xf32>
    tpu.vector_store %arg3[%swap3A_13, %swap3A_14, %swap3A_15], %swap3A_18 {strides = array<i32>} : memref<1x1x2048xf32, #tpu.memory_space<vmem>>, vector<1x1x2048xf32>,
    return
  }
  func.func @transform_0(%arg0: i32) -> (i32, i32) {
    %c0_i32 = arith.constant 0 : i32
    %c0_i32_0 = arith.constant 0 : i32
    return %c0_i32, %arg0 : i32, i32
  }
  func.func @transform_1(%arg0: i32) -> (i32, i32, i32) {
    %c0_i32 = arith.constant 0 : i32
    %c0_i32_0 = arith.constant 0 : i32
    %c0_i32_1 = arith.constant 0 : i32
    return %arg0, %c0_i32, %c0_i32_0 : i32, i32, i32
  }
  func.func @transform_2(%arg0: i32) -> (i32, i32, i32) {
    %c0_i32 = arith.constant 0 : i32
    %c0_i32_0 = arith.constant 0 : i32
    %c0_i32_1 = arith.constant 0 : i32
    return %arg0, %c0_i32, %c0_i32_0 : i32, i32, i32
  }
}

</mosaic_0001>

<sc_bundles>
// kernel: kernel.5.cloned.1.call-start
scs
__scs_entry_jumppad:
0x0: {  	(pc) =	sbr.rel $0x88, $3  }
0x1: {  	(tag) =	ssettag $0x0;
	lr =	simm.s32 $0x1  }
0x2: {  	[smem:$0x3F9E] =	sst lr;
	_ =	strace $0xD0000000  }
0x3: {  	_ = 	snop  }
0x4: {  	_ = 	snop  }
0x5: {  	_ = 	snop  }
0x6: {  	_ = 	snop  }
0x7: {  	_ = 	snop  }
__scs_overlays_trampoline_lowered:
0x8: {  	[smem:$0x3FAD] =	sst s0  }
0x9: {  	[smem:$0x3FAE] =	sst s1  }
0xa: {  	[smem:$0x3FAF] =	sst s2  }
0xb: {  	[smem:$0x3FB0] =	sst s3  }
0xc: {  	[smem:$0x3FB1] =	sst s4  }
0xd: {  	[smem:$0x3FB2] =	sst s5  }
0xe: {  	[smem:$0x3FB3] =	sst s6  }
0xf: {  	[smem:$0x3FB4] =	sst s7  }
0x10: {  	[smem:$0x3FB5] =	sst s8  }
0x11: {  	[smem:$0x3FB6] =	sst s9;
	s0 =	simm.s32 @!p0 $0x0  }
0x12: {  	s1 =	sld [smem:$0x3F9C];
	s0 =	simm.s32 @p0 $0x1  }
0x13: {  	[smem:$0x3FB7] =	sst s0;
	s0 =	simm.s32 @!p1 $0x0  }
0x14: {  	s2 =	sld [smem:$0x3F9B];
	s0 =	simm.s32 @p1 $0x1  }
0x15: {  	[smem:$0x3FB8] =	sst s0;
	s0 =	simm.s32 @!p2 $0x0  }
0x16: {  	s3 =	sld [smem:$0x3FDB];
	s0 =	simm.s32 @p2 $0x1  }
0x17: {  	s4 =	simm.s32 $0x1BF5;
	[smem:$0x3FBA] =	sst s0  }
0x18: {  	s0 =	sld [smem:$0x3F9D];
	_ =	swait.ge [sflag:s4], $0x0  }
0x19: {  	s7 =	sld [smem:$0x3F9E]  }
0x1a: {  	s8 =	sadd.s32 $0xFFFFE003, lr  }
0x1b: {  	s9 =	sadd.s32 $0xFFFFFEF7, lr;
	s5 =	simm.s32 $0xFFFFFFFF;
	p2 =	slt.u32 s8, $0xFFFFF086  }
0x1c: {  	p1 =	slt.u32 s9, $0xF7A;
	s5 =	simm.s32 @!p2 $0x0  }
0x1d: {  	s5 =	simm.s32 @p1 $0x1;
	p0 =	seq.s32 s7, s2  }
0x1e: {  	s7 =	smul.u32 @!p0 $0xF7A, s2;
	p2 =	seq.s32 @!p0 s5, $0x0  }
0x1f: {  	s9 =	smul.u32 $0xF7A, s1;
	s8 =	simm.s32 @!p0 $0x1BF5;
	p2 =	por !p2, p0  }
0x20: {  	[sflag:s8] =	ssyncset.s32 @!p0 $0xFFFFF086;
	s6 =	sadd.s32 @!p0 s3, s7;
	s7 =	simm.s32 @!p0 $0x108  }
0x21: {  	s3 =	sadd.s32 s3, s9;
	s6 =	sadd.s32 @!p0 $0x88, s6;
	s7 =	simm.s32 @p2 $0x1082  }
0x22: {  	[simem:s7], [sflag:s8] =	dma.local @!p0 [hbm:s6], $0xF7A  }
0x23: {  	s9 =	sor.u32 $0xD0000000, s2;
	s6 =	simm.s32 $0x108;
	_ =	swait.ge @!p0 [sflag:s8], $0x0  }
0x24: {  	s3 =	sadd.s32 $0x88, s3;
	s6 =	simm.s32 @!p1 $0x1082;
	[sflag:s4] =	ssyncset.s32 $0xFFFFF086  }
0x25: {  	[simem:s6], [sflag:s4] =	dma.local [hbm:s3], $0xF7A  }
0x26: {  	[smem:$0x3F9E] =	sst s1;
	(tag) =	ssettag s2;
	_ =	strace s9  }
0x27: {  	s1 =	sld [smem:$0x3FAE]  }
0x28: {  	s2 =	sld [smem:$0x3FAF]  }
0x29: {  	s4 =	sld [smem:$0x3FB1]  }
0x2a: {  	p0 =	seq.s32 s5, $0x0;
	s5 =	sld [smem:$0x3FB2]  }
0x2b: {  	s6 =	sld [smem:$0x3FB3]  }
0x2c: {  	s7 =	sld [smem:$0x3FB4]  }
0x2d: {  	s3 =	simm.s32 $0x108;
	s8 =	sld [smem:$0x3FB5]  }
0x2e: {  	s3 =	simm.s32 @!p0 $0x1082;
	s9 =	sld [smem:$0x3FB6]  }
0x2f: {  	lr =	sadd.s32 s0, s3;
	s0 =	sld [smem:$0x3FAD]  }
0x30: {  	s3 =	sld [smem:$0x3FB0]  }
0x31: {  	[smem:$0x3FB9] =	sst s10  }
0x32: {  	s10 =	sld [smem:$0x3FB7];
	_ =	sdelay $0x3  }
0x33: {  	p0 =	seq.s32 s10, $0x1;
	s10 =	sld [smem:$0x3FB9];
	_ =	sdelay $0x3  }
0x34: {  	[smem:$0x3FB9] =	sst s10  }
0x35: {  	s10 =	sld [smem:$0x3FB8];
	_ =	sdelay $0x3  }
0x36: {  	p1 =	seq.s32 s10, $0x1;
	s10 =	sld [smem:$0x3FB9];
	_ =	sdelay $0x3  }
0x37: {  	[smem:$0x3FB9] =	sst s10  }
0x38: {  	s10 =	sld [smem:$0x3FBA]  }
0x39: {  	_ = 	snop;
	(pc) =	sbr.ind lr, $3  }
0x3a: {  	_ = 	snop  }
0x3b: {  	_ = 	snop  }
0x3c: {  	p2 =	seq.s32 s10, $0x1;
	s10 =	sld [smem:$0x3FB9]  }
0x3d: {  	_ =	shalt  }
0x3e: {  	_ =	shalt  }
0x3f: {  	_ =	shalt  }
0x40: {  	_ =	shalt  }
0x41: {  	_ =	shalt  }
0x42: {  	_ =	shalt  }
0x43: {  	_ =	shalt  }
0x44: {  	_ =	shalt  }
0x45: {  	_ =	shalt  }
0x46: {  	_ =	shalt  }
0x47: {  	_ =	shalt  }
0x48: {  	_ =	shalt  }
0x49: {  	_ =	shalt  }
0x4a: {  	_ =	shalt  }
0x4b: {  	_ =	shalt  }
0x4c: {  	_ =	shalt  }
0x4d: {  	_ =	shalt  }
0x4e: {  	_ =	shalt  }
0x4f: {  	_ =	shalt  }
0x50: {  	_ =	shalt  }
0x51: {  	_ =	shalt  }
0x52: {  	_ =	shalt  }
0x53: {  	_ =	shalt  }
0x54: {  	_ =	shalt  }
0x55: {  	_ =	shalt  }
0x56: {  	_ =	shalt  }
0x57: {  	_ =	shalt  }
0x58: {  	_ =	shalt  }
0x59: {  	_ =	shalt  }
0x5a: {  	_ =	shalt  }
0x5b: {  	_ =	shalt  }
0x5c: {  	_ =	shalt  }
0x5d: {  	_ =	shalt  }
0x5e: {  	_ =	shalt  }
0x5f: {  	_ =	shalt  }
0x60: {  	_ =	shalt  }
0x61: {  	_ =	shalt  }
0x62: {  	_ =	shalt  }
0x63: {  	_ =	shalt  }
0x64: {  	_ =	shalt  }
0x65: {  	_ =	shalt  }
0x66: {  	_ =	shalt  }
0x67: {  	_ =	shalt  }
0x68: {  	_ =	shalt  }
0x69: {  	_ =	shalt  }
0x6a: {  	_ =	shalt  }
0x6b: {  	_ =	shalt  }
0x6c: {  	_ =	shalt  }
0x6d: {  	_ =	shalt  }
0x6e: {  	_ =	shalt  }
0x6f: {  	_ =	shalt  }
0x70: {  	_ =	shalt  }
0x71: {  	_ =	shalt  }
0x72: {  	_ =	shalt  }
0x73: {  	_ =	shalt  }
0x74: {  	_ =	shalt  }
0x75: {  	_ =	shalt  }
0x76: {  	_ =	shalt  }
0x77: {  	_ =	shalt  }
0x78: {  	_ =	shalt  }
0x79: {  	_ =	shalt  }
0x7a: {  	_ =	shalt  }
0x7b: {  	_ =	shalt  }
0x7c: {  	_ =	shalt  }
0x7d: {  	_ =	shalt  }
0x7e: {  	_ =	shalt  }
0x7f: {  	_ =	shalt  }
0x80: {  	_ =	shalt  }
0x81: {  	_ =	shalt  }
0x82: {  	_ =	shalt  }
0x83: {  	_ =	shalt  }
0x84: {  	_ =	shalt  }
0x85: {  	_ =	shalt  }
0x86: {  	_ =	shalt  }
0x87: {  	_ =	shalt  }
.Lfunc_end0:
.L_simem_size_0:
called_computation_lowered:
.L_overlay_start_0:
0x88: {  	s0 =	sld [smem:$0x3FD9]  }
0x89: {  	s1 =	sld [smem:$0x3FFE];
	_ =	sdelay $0x3  }
0x8a: {  	s0 =	sadd.s32 s1, s0  }
0x8b: {  	[smem:$0x3FC5] =	sst s0  }
0x8c: {  	_ = 	snop  }
0x8d: {  	s0 =	sld [smem:$0x3FC9]  }
0x8e: {  	s16 =	sld [smem:$0x3FC8]  }
0x8f: {  	s2 =	sld [smem:$0x3FC7];
	(tm) =	ssettm $0x1  }
0x90: {  	s3 =	sld [smem:$0x3FFB];
	_ =	sdelay $0x3  }
0x91: {  	_ =	strace s3  }
0x92: {  	s3 =	sld [smem:$0x3FFC];
	_ =	sdelay $0x3  }
0x93: {  	_ =	strace s3  }
0x94: {  	s3 =	sld [smem:$0x3FFD];
	_ =	sdelay $0x3  }
0x95: {  	_ =	strace s3  }
0x96: {  	_ =	strace $0x8FFFFFFF  }
0x97: {  	s17 =	sld [smem:$0x3FDB];
	_ =	sdelay $0x1  }
0x98: {  	s4 =	simm.s32 $_scs_section_size  }
0x99: {  	s5 =	simm.s32 $_size__tile_overlayer_lowered;
	s6 =	simm.s32 $_tile_overlayer_lowered  }
0x9a: {  	s20 =	simm.s32 $0x1BFF;
	s19 =	sshll.u32 s6, $0x1;
	s3 =	sadd.s32 s4, s17  }
0x9b: {  	s7 =	simm.s32 $0x0;
	s18 =	sshll.u32 s5, $0x1;
	s5 =	sadd.s32 s19, s3  }
0x9c: {  	[timem:s7], [sflag:s20] =	dma.local [hbm:s5], s18  }
0x9d: {  	_ =	swait.ge [sflag:s20], s18  }
0x9e: {  	s4 =	ssub.s32 $0x0, s18;
	[sflag:s20] =	ssyncset.done $0x0  }
0x9f: {  	[sflag:s20] =	ssyncadd.s32 s4;
	_ =	sdelay $0x1  }
0xa0: {  	s21 =	simm.s32 $0x1B8B  }
0xa1: {  	_ =	swait.ge [sflag:s21], $0x1  }
0xa2: {  	[sflag:s21] =	ssyncset.done $0x0  }
0xa3: {  	s23 =	simm.s32 $0x1B8E;
	s22 =	sld [smem:$0x3FFE];
	[sflag:s21] =	ssyncadd.s32 $0xFFFFFFFF  }
0xa4: {  	s24 =	simm.s32 $execute0_lowered;
	[smem:$0x3FD2] =	sst s23  }
0xa5: {  	s5 =	sshll.u32 s24, $0x1;
	_ =	strace $0x80000046;
	[dreg:$0x1] =	wrdreg $0xFFFFFFFF  }
0xa6: {  	s25 =	simm.s32 $_size_execute0_lowered;
	s3 =	sadd.s32 s3, s5;
	[dreg:$0x0] =	wrdreg $0x0  }
0xa7: {  	s5 =	sshll.u32 s25, $0x1;
	[dreg:$0x2] =	wrdreg s3  }
0xa8: {  	[dreg:$0x3] =	wrdreg s5  }
0xa9: {  	[dreg:$0x4] =	wrdreg $0xC0  }
0xaa: {  	_ =	task [dreg:s7], $0x5FFFF  }
0xab: {  	[dreg:$0x1] =	wrdreg $0xFFFFFFFF  }
0xac: {  	[dreg:$0x0] =	wrdreg $0x60  }
0xad: {  	[dreg:$0x2] =	wrdreg s0  }
0xae: {  	[dreg:$0x3] =	wrdreg s16  }
0xaf: {  	[dreg:$0x4] =	wrdreg s2  }
0xb0: {  	[dreg:$0x5] =	wrdreg s22  }
0xb1: {  	[dreg:$0x6] =	wrdreg $0x9  }
0xb2: {  	_ =	task.clear_ibuf [dreg:s7], $0x7FFFF;
	_ =	strace $0x90000046  }
0xb3: {  	s26 =	simm.s32 $0x9;
	_ =	strace $0x80000048  }
0xb4: {  	_ =	swait.ge [sflag:s26], $0x1  }
0xb5: {  	[sflag:s26] =	ssyncadd.s32 $0xFFFFFFFF  }
0xb6: {  	_ =	strace $0x90000048  }
0xb7: {  	_ =	sfence  }
0xb8: {  	s28 =	sld [smem:$0x0];
	_ =	sdelay $0x1  }
0xb9: {  	s29 =	srdreg.scid  }
0xba: {  	s30 =	sshll.u32 s29, $0xD;
	s31 =	sshrl.u32 s29, $0x2  }
0xbb: {  	s1 =	sand.u32 $0x1, s29;
	s2 =	sand.u32 $0x4000, s30;
	s0 =	sadd.s32 s31, s28  }
0xbc: {  	s1 =	sor.u32 s2, s1;
	s0 =	sshll.u32 s0, $0x11  }
0xbd: {  	s0 =	sor.u32 s0, s1  }
0xbe: {  	s0 =	sadd.s32 $0x8F2B, s0  }
0xbf: {  	[sflag:s0] =	ssyncadd.remote.s32 $0x1  }
0xc0: {  	_ =	sfence.sel $0xFFFF  }
0xc1: {  	[dreg:$0x0] =	wrdreg $0xFFFFFFFF;
	(pc) =	sbr.abs _section_cstart, $3  }
0xc2: {  	[dreg:$0x1] =	wrdreg $0xFFFFFFFF  }
0xc3: {  	_ =	task.clear_ibuf [dreg:s7], $0x2FFFF;
	_ =	strace $0x9FFFFFFF  }
0xc4: {  	(tm) =	ssettm $0x7FFFFFFF  }
0xc5: {  	_ =	shalt  }
tec
execute0_lowered:
.L_overlay_start_1:
0x0: {  	(tag) =	ssettag $0x1  }
0x1: {  	s3 =	rddreg [dreg:$0x0]  }
0x2: {  	s5 =	rddreg [dreg:$0x1]  }
0x3: {  	s4 =	rddreg [dreg:$0x2]  }
0x4: {  	s10 =	rddreg [dreg:$0x3]  }
0x5: {  	s0 =	rddreg [dreg:$0x4]  }
0x6: {  	s2 =	simm.s32 $0x0;
	s1 =	stileid.u32;
	s29 =	simm.s32 $0x2000  }
0x7: {  	s7 =	simm.s32 $0x20000;
	[smem:$0x7FF] =	sst s2;
	s6 =	sshll.u32 s1, $0xA  }
0x8: {  	s30 =	simm.s32 $0x1;
	_ =	strace $0x80000047;
	s3 =	sadd.s32 s3, s6  }
0x9: {  	[tilespmem:s2], [sflag:$0x1] =	stream.strided.gather [hbm4b:s3+s29], $0x1A000, s7, s29, $0x38;
	[tilespmem:$0x1AC80] =	vst v63  }
0xa: {  	_ =	swait.ge [sflag:s30], $0x1A000  }
0xb: {  	s3 =	sshll.u32 s1, $0x7;
	[sflag:s30] =	ssyncset.done $0x0  }
0xc: {  	s31 =	simm.s32 $0x1A000;
	s4 =	sadd.s32 s4, s3;
	[sflag:s30] =	ssyncadd.s32 $0xFFFE6000  }
0xd: {  	[tilespmem:s31], [sflag:$0x1] =	stream.linear.gather [hbm4b:s4+s2], $0x400, $0x38;
	[tilespmem:$0x1AC80] =	vst v63  }
0xe: {  	_ =	swait.ge [sflag:s30], $0x400  }
0xf: {  	[sflag:s30] =	ssyncset.done $0x0  }
0x10: {  	s4 =	simm.s32 $0x1A400;
	[sflag:s30] =	ssyncadd.s32 $0xFFFFFC00  }
0x11: {  	[tilespmem:s4], [sflag:$0x1] =	stream.linear.gather [hbm4b:s5+s2], $0x80, $0x38;
	[tilespmem:$0x1AC80] =	vst v63  }
0x12: {  	_ =	swait.ge [sflag:s30], $0x80  }
0x13: {  	[sflag:s30] =	ssyncset.done $0x0  }
0x14: {  	[sflag:s30] =	ssyncadd.s32 $0xFFFFFF80  }
0x15: {  	v1 =	vld [tilespmem:s31+$0x0];
	_ =	sdelay $0x3  }
0x16: {  	v0 =	vlaneseq.u32;
	v2 =	vmov s2  }
0x17: {  	v3 =	vor.u32 s2, v0;
	v2 =	vshll.u32 v2, $0x3  }
0x18: {  	v3 =	vand.u32 $0x7F, v3;
	v2 =	vand.u32 $0x1C00, v2;
	v4 =	vshll.u32 v1, $0xA  }
0x19: {  	v2 =	vor.u32 v2, v3;
	v5 =	vshll.u32 v1, $0x7;
	v4 =	vand.u32 $0xFFFFE000, v4  }
0x1a: {  	v3 =	vand.u32 $0x380, v5;
	v2 =	vor.u32 v4, v2;
	v1 =	vld.idx.msk [tilespmem:v1+s4+$0x0], $0xffff  }
0x1b: {  	v2 =	vor.u32 v3, v2;
	_ =	sdelay $0x2  }
0x1c: {  	s7 =	simm.s32 $0x1A880  }
0x1d: {  	[tilespmem:s7+$0x0] =	vst v1  }
0x1e: {  	v1 =	vld.idx.msk [tilespmem:v2+s2+$0x0], $0xffff;
	_ =	sdelay $0x3  }
0x1f: {  	s8 =	simm.s32 $0x1A480  }
0x20: {  	s9 =	simm.s32 $0x1A010;
	s11 =	simm.s32 $0x20;
	[tilespmem:s8+$0x0] =	vst v1  }
0x21: {  	s6 =	sadd.s32 $0x1000, s10;
	s5 =	sadd.s32 $0x1800, s10;
	s10 =	simm.s32 $0x10;
	v1 =	vld [tilespmem:s9+$0x0]  }
.LBB2_1:
0x22: {  	p0 =	sne.s32 s11, $0x3F0;
	_ =	sdelay $0x3  }
0x23: {  	v2 =	vmov s10  }
0x24: {  	v3 =	vor.u32 s10, v0;
	s10 =	smov.u32 s11;
	v2 =	vshll.u32 v2, $0x3  }
0x25: {  	v3 =	vand.u32 $0x7F, v3;
	v2 =	vand.u32 $0x1C00, v2;
	v4 =	vshll.u32 v1, $0xA  }
0x26: {  	v2 =	vor.u32 v2, v3;
	v4 =	vand.u32 $0xFFFFE000, v4;
	v5 =	vld.idx.msk [tilespmem:v1+s4+$0x0], $0xffff;
	v1 =	vshll.u32 v1, $0x7  }
0x27: {  	v2 =	vor.u32 v4, v2;
	v1 =	vand.u32 $0x380, v1  }
0x28: {  	v1 =	vor.u32 v1, v2;
	_ =	sdelay $0x2  }
0x29: {  	s7 =	sadd.s32 $0x10, s7  }
0x2a: {  	[tilespmem:s7+$0x0] =	vst v5  }
0x2b: {  	v1 =	vld.idx.msk [tilespmem:v1+s2+$0x0], $0xffff;
	_ =	sdelay $0x2  }
.Ltmp0:
0x2c: {  	(pc) =	sbr.rel @p0 .LBB2_1-.Ltmp0, $4  }
0x2d: {  	_ = 	snop  }
0x2e: {  	s8 =	sadd.s32 $0x10, s8  }
0x2f: {  	s9 =	sadd.s32 $0x10, s9;
	[tilespmem:s8+$0x0] =	vst v1  }
0x30: {  	s11 =	sadd.s32 $0x10, s11;
	v1 =	vld [tilespmem:s9+$0x0]  }
0x31: {  	_ =	sdelay $0x3  }
0x32: {  	v2 =	vmov s10  }
0x33: {  	v0 =	vor.u32 s10, v0;
	v2 =	vshll.u32 v2, $0x3  }
0x34: {  	v0 =	vand.u32 $0x7F, v0;
	v2 =	vand.u32 $0x1C00, v2;
	v3 =	vshll.u32 v1, $0xA  }
0x35: {  	v0 =	vor.u32 v2, v0;
	v4 =	vshll.u32 v1, $0x7;
	v3 =	vand.u32 $0xFFFFE000, v3  }
0x36: {  	v62 =	vld.idx.msk [tilespmem:v1+s4+$0x0], $0xffff;
	v63 =	vand.u32 $0x380, v4;
	v0 =	vor.u32 v3, v0  }
0x37: {  	v0 =	vor.u32 v63, v0;
	_ =	sdelay $0x2  }
0x38: {  	s23 =	sadd.s32 $0x10, s7  }
0x39: {  	[tilespmem:s23+$0x0] =	vst v62  }
0x3a: {  	v0 =	vld.idx.msk [tilespmem:v0+s2+$0x0], $0xffff;
	_ =	sdelay $0x3  }
0x3b: {  	s24 =	sadd.s32 $0x10, s8;
	s25 =	sadd.s32 s6, s3  }
0x3c: {  	s26 =	simm.s32 $0x0;
	s28 =	simm.s32 $0x1A480;
	s29 =	simm.s32 $0x1;
	[tilespmem:s24+$0x0] =	vst v0  }
0x3d: {  	[hbm4b:s25+s26] =	stream.linear.scatter [tilespmem:s28], [sflag:$0x1], $0x400, $0x38;
	[tilespmem:$0x1AC80] =	vst v63  }
0x3e: {  	_ =	swait.ge [sflag:s29], $0x400  }
0x3f: {  	[sflag:s29] =	ssyncset.done $0x0  }
0x40: {  	s30 =	sadd.s32 s5, s3;
	s31 =	simm.s32 $0x1A880;
	[sflag:s29] =	ssyncadd.s32 $0xFFFFFC00  }
0x41: {  	[hbm4b:s30+s26] =	stream.linear.scatter [tilespmem:s31], [sflag:$0x1], $0x400, $0x38;
	[tilespmem:$0x1AC80] =	vst v63  }
0x42: {  	_ =	swait.ge [sflag:s29], $0x400  }
0x43: {  	[sflag:s29] =	ssyncset.done $0x0  }
0x44: {  	[sflag:s29] =	ssyncadd.s32 $0xFFFFFC00  }
0x45: {  	_ =	sfence.sel $0x180000  }
0x46: {  	[bflag:$0x0] =	sbarrier.arrive $0xFFFF  }
0x47: {  	p0 =	sne.s32 s1, $0x0;
	_ =	strace $0x90000047  }
0x48: {  	s0 =	sadd.s32 @!p0 $0x100000, s0;
	[bflag:$0x2] =	sbarrier.arrive $0xFFFF  }
0x49: {  	[sflag:s0] =	ssyncadd.tile.s32 @!p0 $0x1;
	_ =	shalt  }
.Lfunc_end2:
_tile_overlayer_lowered:
.L_overlay_start_2:
0x4a: {  	(tag) =	ssettag $0x2  }
0x4b: {  	s0 =	rddreg [dreg:$0x0];
	s2 =	stileid.u32  }
0x4c: {  	s1 =	rddreg [dreg:$0x1];
	p0 =	sne.s32 s2, $0x0  }
0x4d: {  	s3 =	rddreg [dreg:$0x2];
	[bflag:$0x3] =	sbarrier.arrive $0xFFFF;
	s2 =	simm.s32 @!p0 $0x1C01  }
0x4e: {  	[timem:s3], [sflag:s2] =	dma.local @!p0 [hbm:s0], s1  }
0x4f: {  	s0 =	simm.s32 @!p0 $0x1  }
0x50: {  	_ =	swait.ge @!p0 [sflag:s0], s1  }
0x51: {  	s1 =	ssub.s32 @!p0 $0x0, s1;
	[sflag:s0] =	ssyncset.done @!p0 $0x0  }
0x52: {  	[sflag:s0] =	ssyncadd.s32 @!p0 s1  }
0x53: {  	[bflag:$0x3] =	sbarrier.arrive $0xFFFF  }
0x54: {  	_ =	shalt  }

</sc_bundles>
